<compile_context>
chip_gen: v7x
topology: tpu7x:2x2x1
jax: 0.10.2.dev20260603
libtpu: 0.0.44.dev20260713+nightly
codegen_flags: <defaults>
</compile_context>

<pallas_src>
import functools

import jax
import jax.numpy as jnp
from jax import lax
from jax.experimental import pallas as pl
from jax.experimental.pallas import tpu as pltpu
from jax.experimental.pallas import tpu_sc as plsc

_N = 100
_HALF = 64
_D = 2 * _HALF
_LANES = 16
_NW = 16
_CHUNK = _N * _D // _NW
_PAT_ROWS = _CHUNK // _D + 1


@functools.partial(
    pl.kernel,
    out_type=jax.ShapeDtypeStruct((_N * _D,), jnp.float32),
    mesh=plsc.VectorSubcoreMesh(
        core_axis_name="c", subcore_axis_name="s", num_cores=1
    ),
    scratch_types=[
        pltpu.VMEM((_HALF,), jnp.float32),
        pltpu.VMEM((_HALF,), jnp.float32),
        pltpu.VMEM((_PAT_ROWS * _D,), jnp.float32),
        pltpu.SemaphoreType.DMA,
        pltpu.SemaphoreType.DMA,
    ],
)
def _sc_broadcast(price_hbm, size_hbm, out_hbm, price_v, size_v, pat_v,
                  sem_p, sem_s):
    wid = lax.axis_index("s")
    cp = pltpu.async_copy(price_hbm, price_v, sem_p)
    cs = pltpu.async_copy(size_hbm, size_v, sem_s)
    cp.wait()
    cs.wait()
    for c in range(_HALF // _LANES):
        pv = price_v[pl.ds(c * _LANES, _LANES)]
        sv = size_v[pl.ds(c * _LANES, _LANES)]
        for r in range(_PAT_ROWS):
            pat_v[pl.ds(r * _D + c * _LANES, _LANES)] = pv
            pat_v[pl.ds(r * _D + _HALF + c * _LANES, _LANES)] = sv
    phase = pl.multiple_of(lax.rem(wid * _CHUNK, _D), 32)
    pltpu.sync_copy(
        pat_v.at[pl.ds(phase, _CHUNK)],
        out_hbm.at[pl.ds(wid * _CHUNK, _CHUNK)],
    )


def kernel(price_weight, size_weight, num_target_features):
    del num_target_features
    out = _sc_broadcast(price_weight.reshape(_HALF), size_weight.reshape(_HALF))
    return out.reshape(_N, _D)

# --- scband reference (transcript-rebuilt; emitter-appended) ---
"""Pipeline reference for scband-binance-perp-output-embedding-2138893713738 (READ-ONLY COPY).

The authoritative reference and input builder live on the scoring server;
editing this copy changes nothing except your own understanding.
"""

import jax, jax.numpy as jnp
import numpy as np

EMBED_DIM = 128

NUM_TARGET_FEATURES = 100


def setup_inputs(seed: int = 0) -> dict:
    key = jax.random.key(seed)
    k1, k2 = jax.random.split(key)
    # nn.Embedding(1, embed_dim // 2) weights, default torch init ~ N(0, 1)
    price_weight = jax.random.normal(k1, (1, EMBED_DIM // 2), dtype=jnp.float32)
    size_weight = jax.random.normal(k2, (1, EMBED_DIM // 2), dtype=jnp.float32)
    return {
        "price_weight": price_weight,
        "size_weight": size_weight,
        "num_target_features": NUM_TARGET_FEATURES,
    }


def reference(price_weight, size_weight, num_target_features):
    # Original: for each of num_target_features, cat(price_embed(0), size_embed(0)), then stack.
    # Equivalent vectorized form: gather row 0 of each table num_target_features times.
    n = jnp.asarray(num_target_features, dtype=jnp.int32)
    idx = jnp.zeros((NUM_TARGET_FEATURES,), dtype=jnp.int32) * n
    price = jnp.take(price_weight, idx, axis=0)   # [N, embed_dim//2]
    size = jnp.take(size_weight, idx, axis=0)     # [N, embed_dim//2]
    return jnp.concatenate([price, size], axis=-1)  # [N, embed_dim]

if __name__ == "__main__":
    import jax
    _d = setup_inputs()
    print(jax.jit(kernel)(*tuple(_d.values())))

</pallas_src>

<mosaic_0001>
#map = affine_map<(d0, d1) -> (0)>
module attributes {stable_mosaic.version = 14 : i64} {
  func.func @_sc_broadcast(%arg0: i32, %arg1: i32, %arg2: memref<64xf32, #tpu.memory_space<hbm>>, %arg3: memref<64xf32, #tpu.memory_space<hbm>>, %arg4: memref<12800xf32, #tpu.memory_space<hbm>>, %arg5: memref<64xf32, #tpu.memory_space<vmem>>, %arg6: memref<64xf32, #tpu.memory_space<vmem>>, %arg7: memref<896xf32, #tpu.memory_space<vmem>>, %arg8: memref<!tpu.dma_semaphore, #tpu.memory_space<semaphore_mem>>, %arg9: memref<!tpu.dma_semaphore, #tpu.memory_space<semaphore_mem>>) attributes {dimension_semantics = [#tpu.dimension_semantics<core_parallel>, #tpu.dimension_semantics<subcore_parallel>], iteration_bounds = array<i64: 1, 16>, scalar_prefetch = 0 : i64, scratch_operands = 5 : i64, tpu.core_type = #tpu.core_type<sc_vector_subcore>, window_params = [{transform_indices = #map}, {transform_indices = #map}, {transform_indices = #map}]} {
    tpu.enqueue_dma source(%arg2 : memref<64xf32, #tpu.memory_space<hbm>>) target(%arg5 : memref<64xf32, #tpu.memory_space<vmem>>) target_semaphore(%arg8 : memref<!tpu.dma_semaphore, #tpu.memory_space<semaphore_mem>>)
    tpu.enqueue_dma source(%arg3 : memref<64xf32, #tpu.memory_space<hbm>>) target(%arg6 : memref<64xf32, #tpu.memory_space<vmem>>) target_semaphore(%arg9 : memref<!tpu.dma_semaphore, #tpu.memory_space<semaphore_mem>>)
    tpu.wait_dma2 semaphore(%arg8 : memref<!tpu.dma_semaphore, #tpu.memory_space<semaphore_mem>>) src(%arg2 : memref<64xf32, #tpu.memory_space<hbm>>) dst(%arg5 : memref<64xf32, #tpu.memory_space<vmem>>)
    tpu.wait_dma2 semaphore(%arg9 : memref<!tpu.dma_semaphore, #tpu.memory_space<semaphore_mem>>) src(%arg3 : memref<64xf32, #tpu.memory_space<hbm>>) dst(%arg6 : memref<64xf32, #tpu.memory_space<vmem>>)
    %get3A = arith.constant 0 : index
    %get3A_0 = tpu.vector_load %arg5[%get3A] {strides = array<i32>} : memref<64xf32, #tpu.memory_space<vmem>>, vector<16xf32>,
    %get3A_1 = vector.shape_cast %get3A_0 : vector<16xf32> to vector<16xf32>
    %get3A_2 = arith.constant 0 : index
    %get3A_3 = tpu.vector_load %arg6[%get3A_2] {strides = array<i32>} : memref<64xf32, #tpu.memory_space<vmem>>, vector<16xf32>,
    %get3A_4 = vector.shape_cast %get3A_3 : vector<16xf32> to vector<16xf32>
    %swap3A = arith.constant 0 : index
    %swap3A_5 = tpu.vector_load %arg7[%swap3A] {strides = array<i32>} : memref<896xf32, #tpu.memory_space<vmem>>, vector<16xf32>,
    %swap3A_6 = vector.shape_cast %swap3A_5 : vector<16xf32> to vector<16xf32>
    %swap3A_7 = vector.shape_cast %get3A_1 : vector<16xf32> to vector<16xf32>
    tpu.vector_store %arg7[%swap3A], %swap3A_7 {strides = array<i32>} : memref<896xf32, #tpu.memory_space<vmem>>, vector<16xf32>,
    %swap3A_8 = arith.constant 64 : index
    %swap3A_9 = tpu.vector_load %arg7[%swap3A_8] {strides = array<i32>} : memref<896xf32, #tpu.memory_space<vmem>>, vector<16xf32>,
    %swap3A_10 = vector.shape_cast %swap3A_9 : vector<16xf32> to vector<16xf32>
    %swap3A_11 = vector.shape_cast %get3A_4 : vector<16xf32> to vector<16xf32>
    tpu.vector_store %arg7[%swap3A_8], %swap3A_11 {strides = array<i32>} : memref<896xf32, #tpu.memory_space<vmem>>, vector<16xf32>,
    %swap3A_12 = arith.constant 128 : index
    %swap3A_13 = tpu.vector_load %arg7[%swap3A_12] {strides = array<i32>} : memref<896xf32, #tpu.memory_space<vmem>>, vector<16xf32>,
    %swap3A_14 = vector.shape_cast %swap3A_13 : vector<16xf32> to vector<16xf32>
    %swap3A_15 = vector.shape_cast %get3A_1 : vector<16xf32> to vector<16xf32>
    tpu.vector_store %arg7[%swap3A_12], %swap3A_15 {strides = array<i32>} : memref<896xf32, #tpu.memory_space<vmem>>, vector<16xf32>,
    %swap3A_16 = arith.constant 192 : index
    %swap3A_17 = tpu.vector_load %arg7[%swap3A_16] {strides = array<i32>} : memref<896xf32, #tpu.memory_space<vmem>>, vector<16xf32>,
    %swap3A_18 = vector.shape_cast %swap3A_17 : vector<16xf32> to vector<16xf32>
    %swap3A_19 = vector.shape_cast %get3A_4 : vector<16xf32> to vector<16xf32>
    tpu.vector_store %arg7[%swap3A_16], %swap3A_19 {strides = array<i32>} : memref<896xf32, #tpu.memory_space<vmem>>, vector<16xf32>,
    %swap3A_20 = arith.constant 256 : index
    %swap3A_21 = tpu.vector_load %arg7[%swap3A_20] {strides = array<i32>} : memref<896xf32, #tpu.memory_space<vmem>>, vector<16xf32>,
    %swap3A_22 = vector.shape_cast %swap3A_21 : vector<16xf32> to vector<16xf32>
    %swap3A_23 = vector.shape_cast %get3A_1 : vector<16xf32> to vector<16xf32>
    tpu.vector_store %arg7[%swap3A_20], %swap3A_23 {strides = array<i32>} : memref<896xf32, #tpu.memory_space<vmem>>, vector<16xf32>,
    %swap3A_24 = arith.constant 320 : index
    %swap3A_25 = tpu.vector_load %arg7[%swap3A_24] {strides = array<i32>} : memref<896xf32, #tpu.memory_space<vmem>>, vector<16xf32>,
    %swap3A_26 = vector.shape_cast %swap3A_25 : vector<16xf32> to vector<16xf32>
    %swap3A_27 = vector.shape_cast %get3A_4 : vector<16xf32> to vector<16xf32>
    tpu.vector_store %arg7[%swap3A_24], %swap3A_27 {strides = array<i32>} : memref<896xf32, #tpu.memory_space<vmem>>, vector<16xf32>,
    %swap3A_28 = arith.constant 384 : index
    %swap3A_29 = tpu.vector_load %arg7[%swap3A_28] {strides = array<i32>} : memref<896xf32, #tpu.memory_space<vmem>>, vector<16xf32>,
    %swap3A_30 = vector.shape_cast %swap3A_29 : vector<16xf32> to vector<16xf32>
    %swap3A_31 = vector.shape_cast %get3A_1 : vector<16xf32> to vector<16xf32>
    tpu.vector_store %arg7[%swap3A_28], %swap3A_31 {strides = array<i32>} : memref<896xf32, #tpu.memory_space<vmem>>, vector<16xf32>,
    %swap3A_32 = arith.constant 448 : index
    %swap3A_33 = tpu.vector_load %arg7[%swap3A_32] {strides = array<i32>} : memref<896xf32, #tpu.memory_space<vmem>>, vector<16xf32>,
    %swap3A_34 = vector.shape_cast %swap3A_33 : vector<16xf32> to vector<16xf32>
    %swap3A_35 = vector.shape_cast %get3A_4 : vector<16xf32> to vector<16xf32>
    tpu.vector_store %arg7[%swap3A_32], %swap3A_35 {strides = array<i32>} : memref<896xf32, #tpu.memory_space<vmem>>, vector<16xf32>,
    %swap3A_36 = arith.constant 512 : index
    %swap3A_37 = tpu.vector_load %arg7[%swap3A_36] {strides = array<i32>} : memref<896xf32, #tpu.memory_space<vmem>>, vector<16xf32>,
    %swap3A_38 = vector.shape_cast %swap3A_37 : vector<16xf32> to vector<16xf32>
    %swap3A_39 = vector.shape_cast %get3A_1 : vector<16xf32> to vector<16xf32>
    tpu.vector_store %arg7[%swap3A_36], %swap3A_39 {strides = array<i32>} : memref<896xf32, #tpu.memory_space<vmem>>, vector<16xf32>,
    %swap3A_40 = arith.constant 576 : index
    %swap3A_41 = tpu.vector_load %arg7[%swap3A_40] {strides = array<i32>} : memref<896xf32, #tpu.memory_space<vmem>>, vector<16xf32>,
    %swap3A_42 = vector.shape_cast %swap3A_41 : vector<16xf32> to vector<16xf32>
    %swap3A_43 = vector.shape_cast %get3A_4 : vector<16xf32> to vector<16xf32>
    tpu.vector_store %arg7[%swap3A_40], %swap3A_43 {strides = array<i32>} : memref<896xf32, #tpu.memory_space<vmem>>, vector<16xf32>,
    %swap3A_44 = arith.constant 640 : index
    %swap3A_45 = tpu.vector_load %arg7[%swap3A_44] {strides = array<i32>} : memref<896xf32, #tpu.memory_space<vmem>>, vector<16xf32>,
    %swap3A_46 = vector.shape_cast %swap3A_45 : vector<16xf32> to vector<16xf32>
    %swap3A_47 = vector.shape_cast %get3A_1 : vector<16xf32> to vector<16xf32>
    tpu.vector_store %arg7[%swap3A_44], %swap3A_47 {strides = array<i32>} : memref<896xf32, #tpu.memory_space<vmem>>, vector<16xf32>,
    %swap3A_48 = arith.constant 704 : index
    %swap3A_49 = tpu.vector_load %arg7[%swap3A_48] {strides = array<i32>} : memref<896xf32, #tpu.memory_space<vmem>>, vector<16xf32>,
    %swap3A_50 = vector.shape_cast %swap3A_49 : vector<16xf32> to vector<16xf32>
    %swap3A_51 = vector.shape_cast %get3A_4 : vector<16xf32> to vector<16xf32>
    tpu.vector_store %arg7[%swap3A_48], %swap3A_51 {strides = array<i32>} : memref<896xf32, #tpu.memory_space<vmem>>, vector<16xf32>,
    %swap3A_52 = arith.constant 768 : index
    %swap3A_53 = tpu.vector_load %arg7[%swap3A_52] {strides = array<i32>} : memref<896xf32, #tpu.memory_space<vmem>>, vector<16xf32>,
    %swap3A_54 = vector.shape_cast %swap3A_53 : vector<16xf32> to vector<16xf32>
    %swap3A_55 = vector.shape_cast %get3A_1 : vector<16xf32> to vector<16xf32>
    tpu.vector_store %arg7[%swap3A_52], %swap3A_55 {strides = array<i32>} : memref<896xf32, #tpu.memory_space<vmem>>, vector<16xf32>,
    %swap3A_56 = arith.constant 832 : index
    %swap3A_57 = tpu.vector_load %arg7[%swap3A_56] {strides = array<i32>} : memref<896xf32, #tpu.memory_space<vmem>>, vector<16xf32>,
    %swap3A_58 = vector.shape_cast %swap3A_57 : vector<16xf32> to vector<16xf32>
    %swap3A_59 = vector.shape_cast %get3A_4 : vector<16xf32> to vector<16xf32>
    tpu.vector_store %arg7[%swap3A_56], %swap3A_59 {strides = array<i32>} : memref<896xf32, #tpu.memory_space<vmem>>, vector<16xf32>,
    %get3A_60 = arith.constant 16 : index
    %get3A_61 = tpu.vector_load %arg5[%get3A_60] {strides = array<i32>} : memref<64xf32, #tpu.memory_space<vmem>>, vector<16xf32>,
    %get3A_62 = vector.shape_cast %get3A_61 : vector<16xf32> to vector<16xf32>
    %get3A_63 = arith.constant 16 : index
    %get3A_64 = tpu.vector_load %arg6[%get3A_63] {strides = array<i32>} : memref<64xf32, #tpu.memory_space<vmem>>, vector<16xf32>,
    %get3A_65 = vector.shape_cast %get3A_64 : vector<16xf32> to vector<16xf32>
    %swap3A_66 = arith.constant 16 : index
    %swap3A_67 = tpu.vector_load %arg7[%swap3A_66] {strides = array<i32>} : memref<896xf32, #tpu.memory_space<vmem>>, vector<16xf32>,
    %swap3A_68 = vector.shape_cast %swap3A_67 : vector<16xf32> to vector<16xf32>
    %swap3A_69 = vector.shape_cast %get3A_62 : vector<16xf32> to vector<16xf32>
    tpu.vector_store %arg7[%swap3A_66], %swap3A_69 {strides = array<i32>} : memref<896xf32, #tpu.memory_space<vmem>>, vector<16xf32>,
    %swap3A_70 = arith.constant 80 : index
    %swap3A_71 = tpu.vector_load %arg7[%swap3A_70] {strides = array<i32>} : memref<896xf32, #tpu.memory_space<vmem>>, vector<16xf32>,
    %swap3A_72 = vector.shape_cast %swap3A_71 : vector<16xf32> to vector<16xf32>
    %swap3A_73 = vector.shape_cast %get3A_65 : vector<16xf32> to vector<16xf32>
    tpu.vector_store %arg7[%swap3A_70], %swap3A_73 {strides = array<i32>} : memref<896xf32, #tpu.memory_space<vmem>>, vector<16xf32>,
    %swap3A_74 = arith.constant 144 : index
    %swap3A_75 = tpu.vector_load %arg7[%swap3A_74] {strides = array<i32>} : memref<896xf32, #tpu.memory_space<vmem>>, vector<16xf32>,
    %swap3A_76 = vector.shape_cast %swap3A_75 : vector<16xf32> to vector<16xf32>
    %swap3A_77 = vector.shape_cast %get3A_62 : vector<16xf32> to vector<16xf32>
    tpu.vector_store %arg7[%swap3A_74], %swap3A_77 {strides = array<i32>} : memref<896xf32, #tpu.memory_space<vmem>>, vector<16xf32>,
    %swap3A_78 = arith.constant 208 : index
    %swap3A_79 = tpu.vector_load %arg7[%swap3A_78] {strides = array<i32>} : memref<896xf32, #tpu.memory_space<vmem>>, vector<16xf32>,
    %swap3A_80 = vector.shape_cast %swap3A_79 : vector<16xf32> to vector<16xf32>
    %swap3A_81 = vector.shape_cast %get3A_65 : vector<16xf32> to vector<16xf32>
    tpu.vector_store %arg7[%swap3A_78], %swap3A_81 {strides = array<i32>} : memref<896xf32, #tpu.memory_space<vmem>>, vector<16xf32>,
    %swap3A_82 = arith.constant 272 : index
    %swap3A_83 = tpu.vector_load %arg7[%swap3A_82] {strides = array<i32>} : memref<896xf32, #tpu.memory_space<vmem>>, vector<16xf32>,
    %swap3A_84 = vector.shape_cast %swap3A_83 : vector<16xf32> to vector<16xf32>
    %swap3A_85 = vector.shape_cast %get3A_62 : vector<16xf32> to vector<16xf32>
    tpu.vector_store %arg7[%swap3A_82], %swap3A_85 {strides = array<i32>} : memref<896xf32, #tpu.memory_space<vmem>>, vector<16xf32>,
    %swap3A_86 = arith.constant 336 : index
    %swap3A_87 = tpu.vector_load %arg7[%swap3A_86] {strides = array<i32>} : memref<896xf32, #tpu.memory_space<vmem>>, vector<16xf32>,
    %swap3A_88 = vector.shape_cast %swap3A_87 : vector<16xf32> to vector<16xf32>
    %swap3A_89 = vector.shape_cast %get3A_65 : vector<16xf32> to vector<16xf32>
    tpu.vector_store %arg7[%swap3A_86], %swap3A_89 {strides = array<i32>} : memref<896xf32, #tpu.memory_space<vmem>>, vector<16xf32>,
    %swap3A_90 = arith.constant 400 : index
    %swap3A_91 = tpu.vector_load %arg7[%swap3A_90] {strides = array<i32>} : memref<896xf32, #tpu.memory_space<vmem>>, vector<16xf32>,
    %swap3A_92 = vector.shape_cast %swap3A_91 : vector<16xf32> to vector<16xf32>
    %swap3A_93 = vector.shape_cast %get3A_62 : vector<16xf32> to vector<16xf32>
    tpu.vector_store %arg7[%swap3A_90], %swap3A_93 {strides = array<i32>} : memref<896xf32, #tpu.memory_space<vmem>>, vector<16xf32>,
    %swap3A_94 = arith.constant 464 : index
    %swap3A_95 = tpu.vector_load %arg7[%swap3A_94] {strides = array<i32>} : memref<896xf32, #tpu.memory_space<vmem>>, vector<16xf32>,
    %swap3A_96 = vector.shape_cast %swap3A_95 : vector<16xf32> to vector<16xf32>
    %swap3A_97 = vector.shape_cast %get3A_65 : vector<16xf32> to vector<16xf32>
    tpu.vector_store %arg7[%swap3A_94], %swap3A_97 {strides = array<i32>} : memref<896xf32, #tpu.memory_space<vmem>>, vector<16xf32>,
    %swap3A_98 = arith.constant 528 : index
    %swap3A_99 = tpu.vector_load %arg7[%swap3A_98] {strides = array<i32>} : memref<896xf32, #tpu.memory_space<vmem>>, vector<16xf32>,
    %swap3A_100 = vector.shape_cast %swap3A_99 : vector<16xf32> to vector<16xf32>
    %swap3A_101 = vector.shape_cast %get3A_62 : vector<16xf32> to vector<16xf32>
    tpu.vector_store %arg7[%swap3A_98], %swap3A_101 {strides = array<i32>} : memref<896xf32, #tpu.memory_space<vmem>>, vector<16xf32>,
    %swap3A_102 = arith.constant 592 : index
    %swap3A_103 = tpu.vector_load %arg7[%swap3A_102] {strides = array<i32>} : memref<896xf32, #tpu.memory_space<vmem>>, vector<16xf32>,
    %swap3A_104 = vector.shape_cast %swap3A_103 : vector<16xf32> to vector<16xf32>
    %swap3A_105 = vector.shape_cast %get3A_65 : vector<16xf32> to vector<16xf32>
    tpu.vector_store %arg7[%swap3A_102], %swap3A_105 {strides = array<i32>} : memref<896xf32, #tpu.memory_space<vmem>>, vector<16xf32>,
    %swap3A_106 = arith.constant 656 : index
    %swap3A_107 = tpu.vector_load %arg7[%swap3A_106] {strides = array<i32>} : memref<896xf32, #tpu.memory_space<vmem>>, vector<16xf32>,
    %swap3A_108 = vector.shape_cast %swap3A_107 : vector<16xf32> to vector<16xf32>
    %swap3A_109 = vector.shape_cast %get3A_62 : vector<16xf32> to vector<16xf32>
    tpu.vector_store %arg7[%swap3A_106], %swap3A_109 {strides = array<i32>} : memref<896xf32, #tpu.memory_space<vmem>>, vector<16xf32>,
    %swap3A_110 = arith.constant 720 : index
    %swap3A_111 = tpu.vector_load %arg7[%swap3A_110] {strides = array<i32>} : memref<896xf32, #tpu.memory_space<vmem>>, vector<16xf32>,
    %swap3A_112 = vector.shape_cast %swap3A_111 : vector<16xf32> to vector<16xf32>
    %swap3A_113 = vector.shape_cast %get3A_65 : vector<16xf32> to vector<16xf32>
    tpu.vector_store %arg7[%swap3A_110], %swap3A_113 {strides = array<i32>} : memref<896xf32, #tpu.memory_space<vmem>>, vector<16xf32>,
    %swap3A_114 = arith.constant 784 : index
    %swap3A_115 = tpu.vector_load %arg7[%swap3A_114] {strides = array<i32>} : memref<896xf32, #tpu.memory_space<vmem>>, vector<16xf32>,
    %swap3A_116 = vector.shape_cast %swap3A_115 : vector<16xf32> to vector<16xf32>
    %swap3A_117 = vector.shape_cast %get3A_62 : vector<16xf32> to vector<16xf32>
    tpu.vector_store %arg7[%swap3A_114], %swap3A_117 {strides = array<i32>} : memref<896xf32, #tpu.memory_space<vmem>>, vector<16xf32>,
    %swap3A_118 = arith.constant 848 : index
    %swap3A_119 = tpu.vector_load %arg7[%swap3A_118] {strides = array<i32>} : memref<896xf32, #tpu.memory_space<vmem>>, vector<16xf32>,
    %swap3A_120 = vector.shape_cast %swap3A_119 : vector<16xf32> to vector<16xf32>
    %swap3A_121 = vector.shape_cast %get3A_65 : vector<16xf32> to vector<16xf32>
    tpu.vector_store %arg7[%swap3A_118], %swap3A_121 {strides = array<i32>} : memref<896xf32, #tpu.memory_space<vmem>>, vector<16xf32>,
    %get3A_122 = arith.constant 32 : index
    %get3A_123 = tpu.vector_load %arg5[%get3A_122] {strides = array<i32>} : memref<64xf32, #tpu.memory_space<vmem>>, vector<16xf32>,
    %get3A_124 = vector.shape_cast %get3A_123 : vector<16xf32> to vector<16xf32>
    %get3A_125 = arith.constant 32 : index
    %get3A_126 = tpu.vector_load %arg6[%get3A_125] {strides = array<i32>} : memref<64xf32, #tpu.memory_space<vmem>>, vector<16xf32>,
    %get3A_127 = vector.shape_cast %get3A_126 : vector<16xf32> to vector<16xf32>
    %swap3A_128 = arith.constant 32 : index
    %swap3A_129 = tpu.vector_load %arg7[%swap3A_128] {strides = array<i32>} : memref<896xf32, #tpu.memory_space<vmem>>, vector<16xf32>,
    %swap3A_130 = vector.shape_cast %swap3A_129 : vector<16xf32> to vector<16xf32>
    %swap3A_131 = vector.shape_cast %get3A_124 : vector<16xf32> to vector<16xf32>
    tpu.vector_store %arg7[%swap3A_128], %swap3A_131 {strides = array<i32>} : memref<896xf32, #tpu.memory_space<vmem>>, vector<16xf32>,
    %swap3A_132 = arith.constant 96 : index
    %swap3A_133 = tpu.vector_load %arg7[%swap3A_132] {strides = array<i32>} : memref<896xf32, #tpu.memory_space<vmem>>, vector<16xf32>,
    %swap3A_134 = vector.shape_cast %swap3A_133 : vector<16xf32> to vector<16xf32>
    %swap3A_135 = vector.shape_cast %get3A_127 : vector<16xf32> to vector<16xf32>
    tpu.vector_store %arg7[%swap3A_132], %swap3A_135 {strides = array<i32>} : memref<896xf32, #tpu.memory_space<vmem>>, vector<16xf32>,
    %swap3A_136 = arith.constant 160 : index
    %swap3A_137 = tpu.vector_load %arg7[%swap3A_136] {strides = array<i32>} : memref<896xf32, #tpu.memory_space<vmem>>, vector<16xf32>,
    %swap3A_138 = vector.shape_cast %swap3A_137 : vector<16xf32> to vector<16xf32>
    %swap3A_139 = vector.shape_cast %get3A_124 : vector<16xf32> to vector<16xf32>
    tpu.vector_store %arg7[%swap3A_136], %swap3A_139 {strides = array<i32>} : memref<896xf32, #tpu.memory_space<vmem>>, vector<16xf32>,
    %swap3A_140 = arith.constant 224 : index
    %swap3A_141 = tpu.vector_load %arg7[%swap3A_140] {strides = array<i32>} : memref<896xf32, #tpu.memory_space<vmem>>, vector<16xf32>,
    %swap3A_142 = vector.shape_cast %swap3A_141 : vector<16xf32> to vector<16xf32>
    %swap3A_143 = vector.shape_cast %get3A_127 : vector<16xf32> to vector<16xf32>
    tpu.vector_store %arg7[%swap3A_140], %swap3A_143 {strides = array<i32>} : memref<896xf32, #tpu.memory_space<vmem>>, vector<16xf32>,
    %swap3A_144 = arith.constant 288 : index
    %swap3A_145 = tpu.vector_load %arg7[%swap3A_144] {strides = array<i32>} : memref<896xf32, #tpu.memory_space<vmem>>, vector<16xf32>,
    %swap3A_146 = vector.shape_cast %swap3A_145 : vector<16xf32> to vector<16xf32>
    %swap3A_147 = vector.shape_cast %get3A_124 : vector<16xf32> to vector<16xf32>
    tpu.vector_store %arg7[%swap3A_144], %swap3A_147 {strides = array<i32>} : memref<896xf32, #tpu.memory_space<vmem>>, vector<16xf32>,
    %swap3A_148 = arith.constant 352 : index
    %swap3A_149 = tpu.vector_load %arg7[%swap3A_148] {strides = array<i32>} : memref<896xf32, #tpu.memory_space<vmem>>, vector<16xf32>,
    %swap3A_150 = vector.shape_cast %swap3A_149 : vector<16xf32> to vector<16xf32>
    %swap3A_151 = vector.shape_cast %get3A_127 : vector<16xf32> to vector<16xf32>
    tpu.vector_store %arg7[%swap3A_148], %swap3A_151 {strides = array<i32>} : memref<896xf32, #tpu.memory_space<vmem>>, vector<16xf32>,
    %swap3A_152 = arith.constant 416 : index
    %swap3A_153 = tpu.vector_load %arg7[%swap3A_152] {strides = array<i32>} : memref<896xf32, #tpu.memory_space<vmem>>, vector<16xf32>,
    %swap3A_154 = vector.shape_cast %swap3A_153 : vector<16xf32> to vector<16xf32>
    %swap3A_155 = vector.shape_cast %get3A_124 : vector<16xf32> to vector<16xf32>
    tpu.vector_store %arg7[%swap3A_152], %swap3A_155 {strides = array<i32>} : memref<896xf32, #tpu.memory_space<vmem>>, vector<16xf32>,
    %swap3A_156 = arith.constant 480 : index
    %swap3A_157 = tpu.vector_load %arg7[%swap3A_156] {strides = array<i32>} : memref<896xf32, #tpu.memory_space<vmem>>, vector<16xf32>,
    %swap3A_158 = vector.shape_cast %swap3A_157 : vector<16xf32> to vector<16xf32>
    %swap3A_159 = vector.shape_cast %get3A_127 : vector<16xf32> to vector<16xf32>
    tpu.vector_store %arg7[%swap3A_156], %swap3A_159 {strides = array<i32>} : memref<896xf32, #tpu.memory_space<vmem>>, vector<16xf32>,
    %swap3A_160 = arith.constant 544 : index
    %swap3A_161 = tpu.vector_load %arg7[%swap3A_160] {strides = array<i32>} : memref<896xf32, #tpu.memory_space<vmem>>, vector<16xf32>,
    %swap3A_162 = vector.shape_cast %swap3A_161 : vector<16xf32> to vector<16xf32>
    %swap3A_163 = vector.shape_cast %get3A_124 : vector<16xf32> to vector<16xf32>
    tpu.vector_store %arg7[%swap3A_160], %swap3A_163 {strides = array<i32>} : memref<896xf32, #tpu.memory_space<vmem>>, vector<16xf32>,
    %swap3A_164 = arith.constant 608 : index
    %swap3A_165 = tpu.vector_load %arg7[%swap3A_164] {strides = array<i32>} : memref<896xf32, #tpu.memory_space<vmem>>, vector<16xf32>,
    %swap3A_166 = vector.shape_cast %swap3A_165 : vector<16xf32> to vector<16xf32>
    %swap3A_167 = vector.shape_cast %get3A_127 : vector<16xf32> to vector<16xf32>
    tpu.vector_store %arg7[%swap3A_164], %swap3A_167 {strides = array<i32>} : memref<896xf32, #tpu.memory_space<vmem>>, vector<16xf32>,
    %swap3A_168 = arith.constant 672 : index
    %swap3A_169 = tpu.vector_load %arg7[%swap3A_168] {strides = array<i32>} : memref<896xf32, #tpu.memory_space<vmem>>, vector<16xf32>,
    %swap3A_170 = vector.shape_cast %swap3A_169 : vector<16xf32> to vector<16xf32>
    %swap3A_171 = vector.shape_cast %get3A_124 : vector<16xf32> to vector<16xf32>
    tpu.vector_store %arg7[%swap3A_168], %swap3A_171 {strides = array<i32>} : memref<896xf32, #tpu.memory_space<vmem>>, vector<16xf32>,
    %swap3A_172 = arith.constant 736 : index
    %swap3A_173 = tpu.vector_load %arg7[%swap3A_172] {strides = array<i32>} : memref<896xf32, #tpu.memory_space<vmem>>, vector<16xf32>,
    %swap3A_174 = vector.shape_cast %swap3A_173 : vector<16xf32> to vector<16xf32>
    %swap3A_175 = vector.shape_cast %get3A_127 : vector<16xf32> to vector<16xf32>
    tpu.vector_store %arg7[%swap3A_172], %swap3A_175 {strides = array<i32>} : memref<896xf32, #tpu.memory_space<vmem>>, vector<16xf32>,
    %swap3A_176 = arith.constant 800 : index
    %swap3A_177 = tpu.vector_load %arg7[%swap3A_176] {strides = array<i32>} : memref<896xf32, #tpu.memory_space<vmem>>, vector<16xf32>,
    %swap3A_178 = vector.shape_cast %swap3A_177 : vector<16xf32> to vector<16xf32>
    %swap3A_179 = vector.shape_cast %get3A_124 : vector<16xf32> to vector<16xf32>
    tpu.vector_store %arg7[%swap3A_176], %swap3A_179 {strides = array<i32>} : memref<896xf32, #tpu.memory_space<vmem>>, vector<16xf32>,
    %swap3A_180 = arith.constant 864 : index
    %swap3A_181 = tpu.vector_load %arg7[%swap3A_180] {strides = array<i32>} : memref<896xf32, #tpu.memory_space<vmem>>, vector<16xf32>,
    %swap3A_182 = vector.shape_cast %swap3A_181 : vector<16xf32> to vector<16xf32>
    %swap3A_183 = vector.shape_cast %get3A_127 : vector<16xf32> to vector<16xf32>
    tpu.vector_store %arg7[%swap3A_180], %swap3A_183 {strides = array<i32>} : memref<896xf32, #tpu.memory_space<vmem>>, vector<16xf32>,
    %get3A_184 = arith.constant 48 : index
    %get3A_185 = tpu.vector_load %arg5[%get3A_184] {strides = array<i32>} : memref<64xf32, #tpu.memory_space<vmem>>, vector<16xf32>,
    %get3A_186 = vector.shape_cast %get3A_185 : vector<16xf32> to vector<16xf32>
    %get3A_187 = arith.constant 48 : index
    %get3A_188 = tpu.vector_load %arg6[%get3A_187] {strides = array<i32>} : memref<64xf32, #tpu.memory_space<vmem>>, vector<16xf32>,
    %get3A_189 = vector.shape_cast %get3A_188 : vector<16xf32> to vector<16xf32>
    %swap3A_190 = arith.constant 48 : index
    %swap3A_191 = tpu.vector_load %arg7[%swap3A_190] {strides = array<i32>} : memref<896xf32, #tpu.memory_space<vmem>>, vector<16xf32>,
    %swap3A_192 = vector.shape_cast %swap3A_191 : vector<16xf32> to vector<16xf32>
    %swap3A_193 = vector.shape_cast %get3A_186 : vector<16xf32> to vector<16xf32>
    tpu.vector_store %arg7[%swap3A_190], %swap3A_193 {strides = array<i32>} : memref<896xf32, #tpu.memory_space<vmem>>, vector<16xf32>,
    %swap3A_194 = arith.constant 112 : index
    %swap3A_195 = tpu.vector_load %arg7[%swap3A_194] {strides = array<i32>} : memref<896xf32, #tpu.memory_space<vmem>>, vector<16xf32>,
    %swap3A_196 = vector.shape_cast %swap3A_195 : vector<16xf32> to vector<16xf32>
    %swap3A_197 = vector.shape_cast %get3A_189 : vector<16xf32> to vector<16xf32>
    tpu.vector_store %arg7[%swap3A_194], %swap3A_197 {strides = array<i32>} : memref<896xf32, #tpu.memory_space<vmem>>, vector<16xf32>,
    %swap3A_198 = arith.constant 176 : index
    %swap3A_199 = tpu.vector_load %arg7[%swap3A_198] {strides = array<i32>} : memref<896xf32, #tpu.memory_space<vmem>>, vector<16xf32>,
    %swap3A_200 = vector.shape_cast %swap3A_199 : vector<16xf32> to vector<16xf32>
    %swap3A_201 = vector.shape_cast %get3A_186 : vector<16xf32> to vector<16xf32>
    tpu.vector_store %arg7[%swap3A_198], %swap3A_201 {strides = array<i32>} : memref<896xf32, #tpu.memory_space<vmem>>, vector<16xf32>,
    %swap3A_202 = arith.constant 240 : index
    %swap3A_203 = tpu.vector_load %arg7[%swap3A_202] {strides = array<i32>} : memref<896xf32, #tpu.memory_space<vmem>>, vector<16xf32>,
    %swap3A_204 = vector.shape_cast %swap3A_203 : vector<16xf32> to vector<16xf32>
    %swap3A_205 = vector.shape_cast %get3A_189 : vector<16xf32> to vector<16xf32>
    tpu.vector_store %arg7[%swap3A_202], %swap3A_205 {strides = array<i32>} : memref<896xf32, #tpu.memory_space<vmem>>, vector<16xf32>,
    %swap3A_206 = arith.constant 304 : index
    %swap3A_207 = tpu.vector_load %arg7[%swap3A_206] {strides = array<i32>} : memref<896xf32, #tpu.memory_space<vmem>>, vector<16xf32>,
    %swap3A_208 = vector.shape_cast %swap3A_207 : vector<16xf32> to vector<16xf32>
    %swap3A_209 = vector.shape_cast %get3A_186 : vector<16xf32> to vector<16xf32>
    tpu.vector_store %arg7[%swap3A_206], %swap3A_209 {strides = array<i32>} : memref<896xf32, #tpu.memory_space<vmem>>, vector<16xf32>,
    %swap3A_210 = arith.constant 368 : index
    %swap3A_211 = tpu.vector_load %arg7[%swap3A_210] {strides = array<i32>} : memref<896xf32, #tpu.memory_space<vmem>>, vector<16xf32>,
    %swap3A_212 = vector.shape_cast %swap3A_211 : vector<16xf32> to vector<16xf32>
    %swap3A_213 = vector.shape_cast %get3A_189 : vector<16xf32> to vector<16xf32>
    tpu.vector_store %arg7[%swap3A_210], %swap3A_213 {strides = array<i32>} : memref<896xf32, #tpu.memory_space<vmem>>, vector<16xf32>,
    %swap3A_214 = arith.constant 432 : index
    %swap3A_215 = tpu.vector_load %arg7[%swap3A_214] {strides = array<i32>} : memref<896xf32, #tpu.memory_space<vmem>>, vector<16xf32>,
    %swap3A_216 = vector.shape_cast %swap3A_215 : vector<16xf32> to vector<16xf32>
    %swap3A_217 = vector.shape_cast %get3A_186 : vector<16xf32> to vector<16xf32>
    tpu.vector_store %arg7[%swap3A_214], %swap3A_217 {strides = array<i32>} : memref<896xf32, #tpu.memory_space<vmem>>, vector<16xf32>,
    %swap3A_218 = arith.constant 496 : index
    %swap3A_219 = tpu.vector_load %arg7[%swap3A_218] {strides = array<i32>} : memref<896xf32, #tpu.memory_space<vmem>>, vector<16xf32>,
    %swap3A_220 = vector.shape_cast %swap3A_219 : vector<16xf32> to vector<16xf32>
    %swap3A_221 = vector.shape_cast %get3A_189 : vector<16xf32> to vector<16xf32>
    tpu.vector_store %arg7[%swap3A_218], %swap3A_221 {strides = array<i32>} : memref<896xf32, #tpu.memory_space<vmem>>, vector<16xf32>,
    %swap3A_222 = arith.constant 560 : index
    %swap3A_223 = tpu.vector_load %arg7[%swap3A_222] {strides = array<i32>} : memref<896xf32, #tpu.memory_space<vmem>>, vector<16xf32>,
    %swap3A_224 = vector.shape_cast %swap3A_223 : vector<16xf32> to vector<16xf32>
    %swap3A_225 = vector.shape_cast %get3A_186 : vector<16xf32> to vector<16xf32>
    tpu.vector_store %arg7[%swap3A_222], %swap3A_225 {strides = array<i32>} : memref<896xf32, #tpu.memory_space<vmem>>, vector<16xf32>,
    %swap3A_226 = arith.constant 624 : index
    %swap3A_227 = tpu.vector_load %arg7[%swap3A_226] {strides = array<i32>} : memref<896xf32, #tpu.memory_space<vmem>>, vector<16xf32>,
    %swap3A_228 = vector.shape_cast %swap3A_227 : vector<16xf32> to vector<16xf32>
    %swap3A_229 = vector.shape_cast %get3A_189 : vector<16xf32> to vector<16xf32>
    tpu.vector_store %arg7[%swap3A_226], %swap3A_229 {strides = array<i32>} : memref<896xf32, #tpu.memory_space<vmem>>, vector<16xf32>,
    %swap3A_230 = arith.constant 688 : index
    %swap3A_231 = tpu.vector_load %arg7[%swap3A_230] {strides = array<i32>} : memref<896xf32, #tpu.memory_space<vmem>>, vector<16xf32>,
    %swap3A_232 = vector.shape_cast %swap3A_231 : vector<16xf32> to vector<16xf32>
    %swap3A_233 = vector.shape_cast %get3A_186 : vector<16xf32> to vector<16xf32>
    tpu.vector_store %arg7[%swap3A_230], %swap3A_233 {strides = array<i32>} : memref<896xf32, #tpu.memory_space<vmem>>, vector<16xf32>,
    %swap3A_234 = arith.constant 752 : index
    %swap3A_235 = tpu.vector_load %arg7[%swap3A_234] {strides = array<i32>} : memref<896xf32, #tpu.memory_space<vmem>>, vector<16xf32>,
    %swap3A_236 = vector.shape_cast %swap3A_235 : vector<16xf32> to vector<16xf32>
    %swap3A_237 = vector.shape_cast %get3A_189 : vector<16xf32> to vector<16xf32>
    tpu.vector_store %arg7[%swap3A_234], %swap3A_237 {strides = array<i32>} : memref<896xf32, #tpu.memory_space<vmem>>, vector<16xf32>,
    %swap3A_238 = arith.constant 816 : index
    %swap3A_239 = tpu.vector_load %arg7[%swap3A_238] {strides = array<i32>} : memref<896xf32, #tpu.memory_space<vmem>>, vector<16xf32>,
    %swap3A_240 = vector.shape_cast %swap3A_239 : vector<16xf32> to vector<16xf32>
    %swap3A_241 = vector.shape_cast %get3A_186 : vector<16xf32> to vector<16xf32>
    tpu.vector_store %arg7[%swap3A_238], %swap3A_241 {strides = array<i32>} : memref<896xf32, #tpu.memory_space<vmem>>, vector<16xf32>,
    %swap3A_242 = arith.constant 880 : index
    %swap3A_243 = tpu.vector_load %arg7[%swap3A_242] {strides = array<i32>} : memref<896xf32, #tpu.memory_space<vmem>>, vector<16xf32>,
    %swap3A_244 = vector.shape_cast %swap3A_243 : vector<16xf32> to vector<16xf32>
    %swap3A_245 = vector.shape_cast %get3A_189 : vector<16xf32> to vector<16xf32>
    tpu.vector_store %arg7[%swap3A_242], %swap3A_245 {strides = array<i32>} : memref<896xf32, #tpu.memory_space<vmem>>, vector<16xf32>,
    %mul3A = arith.constant 800 : i32
    %mul3A_246 = arith.muli %arg1, %mul3A : i32
    %rem3A = arith.constant 128 : i32
    %rem3A_247 = arith.remsi %mul3A_246, %rem3A : i32
    %multiple_of3A = tpu.assume_multiple %rem3A_247, 32 : i32
    %mul3A_248 = arith.constant 800 : i32
    %mul3A_249 = arith.muli %arg1, %mul3A_248 : i32
    "tpu.region"() ({
      %run_scoped3A = tpu.sem_alloc : memref<!tpu.dma_semaphore, #tpu.memory_space<semaphore_mem>>
      %dma_start3A = tpu.memref_slice %arg7[%multiple_of3A] : memref<896xf32, #tpu.memory_space<vmem>> -> memref<800xf32, #tpu.memory_space<vmem>>
      %dma_start3A_250 = tpu.memref_slice %arg4[%mul3A_249] : memref<12800xf32, #tpu.memory_space<hbm>> -> memref<800xf32, #tpu.memory_space<hbm>>
      %dma_start3A_251 = tpu.memref_slice %arg4[%mul3A_249] : memref<12800xf32, #tpu.memory_space<hbm>> -> memref<800xf32, #tpu.memory_space<hbm>>
      %dma_start3A_252 = tpu.memref_slice %arg7[%multiple_of3A] : memref<896xf32, #tpu.memory_space<vmem>> -> memref<800xf32, #tpu.memory_space<vmem>>
      tpu.enqueue_dma source(%dma_start3A_252 : memref<800xf32, #tpu.memory_space<vmem>>) target(%dma_start3A_251 : memref<800xf32, #tpu.memory_space<hbm>>) target_semaphore(%run_scoped3A : memref<!tpu.dma_semaphore, #tpu.memory_space<semaphore_mem>>)
      %dma_wait3A = tpu.memref_slice %arg7[%multiple_of3A] : memref<896xf32, #tpu.memory_space<vmem>> -> memref<800xf32, #tpu.memory_space<vmem>>
      %dma_wait3A_253 = tpu.memref_slice %arg4[%mul3A_249] : memref<12800xf32, #tpu.memory_space<hbm>> -> memref<800xf32, #tpu.memory_space<hbm>>
      %dma_wait3A_254 = tpu.memref_slice %arg4[%mul3A_249] : memref<12800xf32, #tpu.memory_space<hbm>> -> memref<800xf32, #tpu.memory_space<hbm>>
      %dma_wait3A_255 = tpu.memref_slice %arg7[%multiple_of3A] : memref<896xf32, #tpu.memory_space<vmem>> -> memref<800xf32, #tpu.memory_space<vmem>>
      tpu.wait_dma2 semaphore(%run_scoped3A : memref<!tpu.dma_semaphore, #tpu.memory_space<semaphore_mem>>) src(%dma_wait3A_255 : memref<800xf32, #tpu.memory_space<vmem>>) dst(%dma_wait3A_254 : memref<800xf32, #tpu.memory_space<hbm>>)
      tpu.yield
    }) : () -> ()
    return
  }
}

</mosaic_0001>

<sc_bundles>
// kernel: kernel.3.cloned.1.call-start
scs
__scs_entry_jumppad:
0x0: {  	(pc) =	sbr.rel $0x88, $3  }
0x1: {  	(tag) =	ssettag $0x0;
	lr =	simm.s32 $0x1  }
0x2: {  	[smem:$0x3F9F] =	sst lr;
	_ =	strace $0xD0000000  }
0x3: {  	_ = 	snop  }
0x4: {  	_ = 	snop  }
0x5: {  	_ = 	snop  }
0x6: {  	_ = 	snop  }
0x7: {  	_ = 	snop  }
__scs_overlays_trampoline_lowered:
0x8: {  	[smem:$0x3FAE] =	sst s0  }
0x9: {  	[smem:$0x3FAF] =	sst s1  }
0xa: {  	[smem:$0x3FB0] =	sst s2  }
0xb: {  	[smem:$0x3FB1] =	sst s3  }
0xc: {  	[smem:$0x3FB2] =	sst s4  }
0xd: {  	[smem:$0x3FB3] =	sst s5  }
0xe: {  	[smem:$0x3FB4] =	sst s6  }
0xf: {  	[smem:$0x3FB5] =	sst s7  }
0x10: {  	[smem:$0x3FB6] =	sst s8  }
0x11: {  	[smem:$0x3FB7] =	sst s9;
	s0 =	simm.s32 @!p0 $0x0  }
0x12: {  	s1 =	sld [smem:$0x3F9D];
	s0 =	simm.s32 @p0 $0x1  }
0x13: {  	[smem:$0x3FB8] =	sst s0;
	s0 =	simm.s32 @!p1 $0x0  }
0x14: {  	s2 =	sld [smem:$0x3F9C];
	s0 =	simm.s32 @p1 $0x1  }
0x15: {  	[smem:$0x3FB9] =	sst s0;
	s0 =	simm.s32 @!p2 $0x0  }
0x16: {  	s3 =	sld [smem:$0x3FDB];
	s0 =	simm.s32 @p2 $0x1  }
0x17: {  	s4 =	simm.s32 $0x1BF5;
	[smem:$0x3FBB] =	sst s0  }
0x18: {  	s0 =	sld [smem:$0x3F9E];
	_ =	swait.ge [sflag:s4], $0x0  }
0x19: {  	s7 =	sld [smem:$0x3F9F]  }
0x1a: {  	s8 =	sadd.s32 $0xFFFFE003, lr  }
0x1b: {  	s9 =	sadd.s32 $0xFFFFFEF7, lr;
	s5 =	simm.s32 $0xFFFFFFFF;
	p2 =	slt.u32 s8, $0xFFFFF086  }
0x1c: {  	p1 =	slt.u32 s9, $0xF7A;
	s5 =	simm.s32 @!p2 $0x0  }
0x1d: {  	s5 =	simm.s32 @p1 $0x1;
	p0 =	seq.s32 s7, s2  }
0x1e: {  	s7 =	smul.u32 @!p0 $0xF7A, s2;
	p2 =	seq.s32 @!p0 s5, $0x0  }
0x1f: {  	s9 =	smul.u32 $0xF7A, s1;
	s8 =	simm.s32 @!p0 $0x1BF5;
	p2 =	por !p2, p0  }
0x20: {  	[sflag:s8] =	ssyncset.s32 @!p0 $0xFFFFF086;
	s6 =	sadd.s32 @!p0 s3, s7;
	s7 =	simm.s32 @!p0 $0x108  }
0x21: {  	s3 =	sadd.s32 s3, s9;
	s6 =	sadd.s32 @!p0 $0x88, s6;
	s7 =	simm.s32 @p2 $0x1082  }
0x22: {  	[simem:s7], [sflag:s8] =	dma.local @!p0 [hbm:s6], $0xF7A  }
0x23: {  	s9 =	sor.u32 $0xD0000000, s2;
	s6 =	simm.s32 $0x108;
	_ =	swait.ge @!p0 [sflag:s8], $0x0  }
0x24: {  	s3 =	sadd.s32 $0x88, s3;
	s6 =	simm.s32 @!p1 $0x1082;
	[sflag:s4] =	ssyncset.s32 $0xFFFFF086  }
0x25: {  	[simem:s6], [sflag:s4] =	dma.local [hbm:s3], $0xF7A  }
0x26: {  	[smem:$0x3F9F] =	sst s1;
	(tag) =	ssettag s2;
	_ =	strace s9  }
0x27: {  	s1 =	sld [smem:$0x3FAF]  }
0x28: {  	s2 =	sld [smem:$0x3FB0]  }
0x29: {  	s4 =	sld [smem:$0x3FB2]  }
0x2a: {  	p0 =	seq.s32 s5, $0x0;
	s5 =	sld [smem:$0x3FB3]  }
0x2b: {  	s6 =	sld [smem:$0x3FB4]  }
0x2c: {  	s7 =	sld [smem:$0x3FB5]  }
0x2d: {  	s3 =	simm.s32 $0x108;
	s8 =	sld [smem:$0x3FB6]  }
0x2e: {  	s3 =	simm.s32 @!p0 $0x1082;
	s9 =	sld [smem:$0x3FB7]  }
0x2f: {  	lr =	sadd.s32 s0, s3;
	s0 =	sld [smem:$0x3FAE]  }
0x30: {  	s3 =	sld [smem:$0x3FB1]  }
0x31: {  	[smem:$0x3FBA] =	sst s10  }
0x32: {  	s10 =	sld [smem:$0x3FB8];
	_ =	sdelay $0x3  }
0x33: {  	p0 =	seq.s32 s10, $0x1;
	s10 =	sld [smem:$0x3FBA];
	_ =	sdelay $0x3  }
0x34: {  	[smem:$0x3FBA] =	sst s10  }
0x35: {  	s10 =	sld [smem:$0x3FB9];
	_ =	sdelay $0x3  }
0x36: {  	p1 =	seq.s32 s10, $0x1;
	s10 =	sld [smem:$0x3FBA];
	_ =	sdelay $0x3  }
0x37: {  	[smem:$0x3FBA] =	sst s10  }
0x38: {  	s10 =	sld [smem:$0x3FBB]  }
0x39: {  	_ = 	snop;
	(pc) =	sbr.ind lr, $3  }
0x3a: {  	_ = 	snop  }
0x3b: {  	_ = 	snop  }
0x3c: {  	p2 =	seq.s32 s10, $0x1;
	s10 =	sld [smem:$0x3FBA]  }
0x3d: {  	_ =	shalt  }
0x3e: {  	_ =	shalt  }
0x3f: {  	_ =	shalt  }
0x40: {  	_ =	shalt  }
0x41: {  	_ =	shalt  }
0x42: {  	_ =	shalt  }
0x43: {  	_ =	shalt  }
0x44: {  	_ =	shalt  }
0x45: {  	_ =	shalt  }
0x46: {  	_ =	shalt  }
0x47: {  	_ =	shalt  }
0x48: {  	_ =	shalt  }
0x49: {  	_ =	shalt  }
0x4a: {  	_ =	shalt  }
0x4b: {  	_ =	shalt  }
0x4c: {  	_ =	shalt  }
0x4d: {  	_ =	shalt  }
0x4e: {  	_ =	shalt  }
0x4f: {  	_ =	shalt  }
0x50: {  	_ =	shalt  }
0x51: {  	_ =	shalt  }
0x52: {  	_ =	shalt  }
0x53: {  	_ =	shalt  }
0x54: {  	_ =	shalt  }
0x55: {  	_ =	shalt  }
0x56: {  	_ =	shalt  }
0x57: {  	_ =	shalt  }
0x58: {  	_ =	shalt  }
0x59: {  	_ =	shalt  }
0x5a: {  	_ =	shalt  }
0x5b: {  	_ =	shalt  }
0x5c: {  	_ =	shalt  }
0x5d: {  	_ =	shalt  }
0x5e: {  	_ =	shalt  }
0x5f: {  	_ =	shalt  }
0x60: {  	_ =	shalt  }
0x61: {  	_ =	shalt  }
0x62: {  	_ =	shalt  }
0x63: {  	_ =	shalt  }
0x64: {  	_ =	shalt  }
0x65: {  	_ =	shalt  }
0x66: {  	_ =	shalt  }
0x67: {  	_ =	shalt  }
0x68: {  	_ =	shalt  }
0x69: {  	_ =	shalt  }
0x6a: {  	_ =	shalt  }
0x6b: {  	_ =	shalt  }
0x6c: {  	_ =	shalt  }
0x6d: {  	_ =	shalt  }
0x6e: {  	_ =	shalt  }
0x6f: {  	_ =	shalt  }
0x70: {  	_ =	shalt  }
0x71: {  	_ =	shalt  }
0x72: {  	_ =	shalt  }
0x73: {  	_ =	shalt  }
0x74: {  	_ =	shalt  }
0x75: {  	_ =	shalt  }
0x76: {  	_ =	shalt  }
0x77: {  	_ =	shalt  }
0x78: {  	_ =	shalt  }
0x79: {  	_ =	shalt  }
0x7a: {  	_ =	shalt  }
0x7b: {  	_ =	shalt  }
0x7c: {  	_ =	shalt  }
0x7d: {  	_ =	shalt  }
0x7e: {  	_ =	shalt  }
0x7f: {  	_ =	shalt  }
0x80: {  	_ =	shalt  }
0x81: {  	_ =	shalt  }
0x82: {  	_ =	shalt  }
0x83: {  	_ =	shalt  }
0x84: {  	_ =	shalt  }
0x85: {  	_ =	shalt  }
0x86: {  	_ =	shalt  }
0x87: {  	_ =	shalt  }
.Lfunc_end0:
.L_simem_size_0:
called_computation_lowered:
.L_overlay_start_0:
0x88: {  	s0 =	sld [smem:$0x3FD9]  }
0x89: {  	s1 =	sld [smem:$0x3FFE];
	_ =	sdelay $0x3  }
0x8a: {  	s0 =	sadd.s32 s1, s0  }
0x8b: {  	[smem:$0x3FC6] =	sst s0  }
0x8c: {  	_ = 	snop  }
0x8d: {  	s0 =	sld [smem:$0x3FC9]  }
0x8e: {  	s17 =	sld [smem:$0x3FC8]  }
0x8f: {  	s2 =	sld [smem:$0x3FD0];
	(tm) =	ssettm $0x1  }
0x90: {  	s3 =	sld [smem:$0x3FFB];
	_ =	sdelay $0x3  }
0x91: {  	_ =	strace s3  }
0x92: {  	s3 =	sld [smem:$0x3FFC];
	_ =	sdelay $0x3  }
0x93: {  	_ =	strace s3  }
0x94: {  	s3 =	sld [smem:$0x3FFD];
	_ =	sdelay $0x3  }
0x95: {  	_ =	strace s3  }
0x96: {  	_ =	strace $0x8FFFFFFF  }
0x97: {  	s18 =	sld [smem:$0x3FDB];
	_ =	sdelay $0x1  }
0x98: {  	s4 =	simm.s32 $_scs_section_size  }
0x99: {  	s5 =	simm.s32 $_size__tile_overlayer_lowered;
	s6 =	simm.s32 $_tile_overlayer_lowered  }
0x9a: {  	s21 =	simm.s32 $0x1BFF;
	s20 =	sshll.u32 s6, $0x1;
	s3 =	sadd.s32 s4, s18  }
0x9b: {  	s7 =	simm.s32 $0x0;
	s19 =	sshll.u32 s5, $0x1;
	s5 =	sadd.s32 s20, s3  }
0x9c: {  	[timem:s7], [sflag:s21] =	dma.local [hbm:s5], s19  }
0x9d: {  	_ =	swait.ge [sflag:s21], s19  }
0x9e: {  	s4 =	ssub.s32 $0x0, s19;
	[sflag:s21] =	ssyncset.done $0x0  }
0x9f: {  	[sflag:s21] =	ssyncadd.s32 s4;
	_ =	sdelay $0x1  }
0xa0: {  	s22 =	simm.s32 $0x1B8B  }
0xa1: {  	_ =	swait.ge [sflag:s22], $0x1  }
0xa2: {  	[sflag:s22] =	ssyncset.done $0x0  }
0xa3: {  	s23 =	simm.s32 $0x1B8E;
	[sflag:s22] =	ssyncadd.s32 $0xFFFFFFFF  }
0xa4: {  	s24 =	simm.s32 $execute0_lowered;
	[smem:$0x3FD2] =	sst s23  }
0xa5: {  	s4 =	sshll.u32 s24, $0x1;
	_ =	strace $0x80000046;
	[dreg:$0x1] =	wrdreg $0xFFFFFFFF  }
0xa6: {  	s25 =	simm.s32 $_size_execute0_lowered;
	s3 =	sadd.s32 s3, s4;
	[dreg:$0x0] =	wrdreg $0x0  }
0xa7: {  	s4 =	sshll.u32 s25, $0x1;
	[dreg:$0x2] =	wrdreg s3  }
0xa8: {  	[dreg:$0x3] =	wrdreg s4  }
0xa9: {  	[dreg:$0x4] =	wrdreg $0xC0  }
0xaa: {  	_ =	task [dreg:s7], $0x5FFFF  }
0xab: {  	[dreg:$0x1] =	wrdreg $0xFFFFFFFF  }
0xac: {  	[dreg:$0x0] =	wrdreg $0x60  }
0xad: {  	[dreg:$0x2] =	wrdreg s0  }
0xae: {  	[dreg:$0x3] =	wrdreg s17  }
0xaf: {  	[dreg:$0x4] =	wrdreg s2  }
0xb0: {  	[dreg:$0x5] =	wrdreg $0x9  }
0xb1: {  	_ =	task.clear_ibuf [dreg:s7], $0x6FFFF;
	_ =	strace $0x90000046  }
0xb2: {  	s26 =	simm.s32 $0x9;
	_ =	strace $0x80000048  }
0xb3: {  	_ =	swait.ge [sflag:s26], $0x1  }
0xb4: {  	[sflag:s26] =	ssyncadd.s32 $0xFFFFFFFF  }
0xb5: {  	_ =	strace $0x90000048  }
0xb6: {  	_ =	sfence  }
0xb7: {  	s28 =	sld [smem:$0x0];
	_ =	sdelay $0x1  }
0xb8: {  	s29 =	srdreg.scid  }
0xb9: {  	s30 =	sshll.u32 s29, $0xD;
	s31 =	sshrl.u32 s29, $0x2  }
0xba: {  	s1 =	sand.u32 $0x1, s29;
	s2 =	sand.u32 $0x4000, s30;
	s0 =	sadd.s32 s31, s28  }
0xbb: {  	s1 =	sor.u32 s2, s1;
	s0 =	sshll.u32 s0, $0x11  }
0xbc: {  	s0 =	sor.u32 s0, s1  }
0xbd: {  	s0 =	sadd.s32 $0x8F2B, s0  }
0xbe: {  	[sflag:s0] =	ssyncadd.remote.s32 $0x1  }
0xbf: {  	_ =	sfence.sel $0xFFFF  }
0xc0: {  	[dreg:$0x0] =	wrdreg $0xFFFFFFFF;
	(pc) =	sbr.abs _section_cstart, $3  }
0xc1: {  	[dreg:$0x1] =	wrdreg $0xFFFFFFFF  }
0xc2: {  	_ =	task.clear_ibuf [dreg:s7], $0x2FFFF;
	_ =	strace $0x9FFFFFFF  }
0xc3: {  	(tm) =	ssettm $0x7FFFFFFF  }
tec
execute0_lowered:
.L_overlay_start_1:
0x0: {  	(tag) =	ssettag $0x1  }
0x1: {  	s3 =	rddreg [dreg:$0x0]  }
0x2: {  	s4 =	rddreg [dreg:$0x1]  }
0x3: {  	s2 =	rddreg [dreg:$0x2];
	s1 =	simm.s32 $0x0  }
0x4: {  	[smem:$0x7FF] =	sst s1  }
0x5: {  	s0 =	rddreg [dreg:$0x3];
	_ =	strace $0x80000047  }
0x6: {  	[tilespmem:s1], [sflag:$0x1] =	stream.linear.gather [hbm4b:s3+s1], $0x80, $0x38;
	[tilespmem:$0x480] =	vst v63  }
0x7: {  	s24 =	simm.s32 $0x80;
	s25 =	simm.s32 $0x1  }
0x8: {  	[tilespmem:s24], [sflag:$0x2] =	stream.linear.gather [hbm4b:s4+s1], $0x80, $0x38;
	[tilespmem:$0x480] =	vst v63  }
0x9: {  	_ =	swait.ge [sflag:s25], $0x80  }
0xa: {  	[sflag:s25] =	ssyncset.done $0x0  }
0xb: {  	s26 =	simm.s32 $0x2;
	[sflag:s25] =	ssyncadd.s32 $0xFFFFFF80  }
0xc: {  	_ =	swait.ge [sflag:s26], $0x80  }
0xd: {  	[sflag:s26] =	ssyncset.done $0x0  }
0xe: {  	[sflag:s26] =	ssyncadd.s32 $0xFFFFFF80  }
0xf: {  	v0 =	vld [tilespmem:$0x0]  }
0x10: {  	v1 =	vld [tilespmem:$0x80];
	_ =	sdelay $0x3  }
0x11: {  	[tilespmem:$0x100] =	vst v0  }
0x12: {  	[tilespmem:$0x140] =	vst v1  }
0x13: {  	[tilespmem:$0x180] =	vst v0  }
0x14: {  	[tilespmem:$0x1C0] =	vst v1  }
0x15: {  	[tilespmem:$0x200] =	vst v0  }
0x16: {  	[tilespmem:$0x240] =	vst v1  }
0x17: {  	[tilespmem:$0x280] =	vst v0  }
0x18: {  	[tilespmem:$0x2C0] =	vst v1  }
0x19: {  	[tilespmem:$0x300] =	vst v0  }
0x1a: {  	v2 =	vld [tilespmem:$0x10];
	[tilespmem:$0x380] =	vst v0  }
0x1b: {  	v59 =	vld [tilespmem:$0x90];
	[tilespmem:$0x400] =	vst v0  }
0x1c: {  	[tilespmem:$0x340] =	vst v1  }
0x1d: {  	[tilespmem:$0x3C0] =	vst v1  }
0x1e: {  	[tilespmem:$0x440] =	vst v1  }
0x1f: {  	[tilespmem:$0x110] =	vst v2  }
0x20: {  	[tilespmem:$0x150] =	vst v59  }
0x21: {  	[tilespmem:$0x190] =	vst v2  }
0x22: {  	[tilespmem:$0x1D0] =	vst v59  }
0x23: {  	[tilespmem:$0x210] =	vst v2  }
0x24: {  	[tilespmem:$0x250] =	vst v59  }
0x25: {  	[tilespmem:$0x290] =	vst v2  }
0x26: {  	[tilespmem:$0x2D0] =	vst v59  }
0x27: {  	[tilespmem:$0x310] =	vst v2  }
0x28: {  	v60 =	vld [tilespmem:$0x20];
	[tilespmem:$0x390] =	vst v2  }
0x29: {  	v61 =	vld [tilespmem:$0xA0];
	[tilespmem:$0x410] =	vst v2  }
0x2a: {  	[tilespmem:$0x350] =	vst v59  }
0x2b: {  	[tilespmem:$0x3D0] =	vst v59  }
0x2c: {  	[tilespmem:$0x450] =	vst v59  }
0x2d: {  	[tilespmem:$0x120] =	vst v60  }
0x2e: {  	[tilespmem:$0x160] =	vst v61  }
0x2f: {  	[tilespmem:$0x1A0] =	vst v60  }
0x30: {  	[tilespmem:$0x1E0] =	vst v61  }
0x31: {  	[tilespmem:$0x220] =	vst v60  }
0x32: {  	[tilespmem:$0x260] =	vst v61  }
0x33: {  	[tilespmem:$0x2A0] =	vst v60  }
0x34: {  	[tilespmem:$0x2E0] =	vst v61  }
0x35: {  	[tilespmem:$0x320] =	vst v60  }
0x36: {  	v62 =	vld [tilespmem:$0x30];
	[tilespmem:$0x3A0] =	vst v60  }
0x37: {  	v63 =	vld [tilespmem:$0xB0];
	[tilespmem:$0x420] =	vst v60  }
0x38: {  	[tilespmem:$0x360] =	vst v61  }
0x39: {  	[tilespmem:$0x3E0] =	vst v61  }
0x3a: {  	[tilespmem:$0x460] =	vst v61  }
0x3b: {  	[tilespmem:$0x130] =	vst v62  }
0x3c: {  	[tilespmem:$0x170] =	vst v63  }
0x3d: {  	[tilespmem:$0x1B0] =	vst v62  }
0x3e: {  	[tilespmem:$0x1F0] =	vst v63  }
0x3f: {  	[tilespmem:$0x230] =	vst v62  }
0x40: {  	[tilespmem:$0x270] =	vst v63  }
0x41: {  	[tilespmem:$0x2B0] =	vst v62  }
0x42: {  	[tilespmem:$0x2F0] =	vst v63  }
0x43: {  	[tilespmem:$0x330] =	vst v62  }
0x44: {  	s28 =	stileid.u32;
	[tilespmem:$0x370] =	vst v63  }
0x45: {  	s29 =	smul.u32 $0x320, s28;
	[tilespmem:$0x3B0] =	vst v62  }
0x46: {  	[tilespmem:$0x3F0] =	vst v63  }
0x47: {  	s5 =	sand.u32 $0x60, s29;
	s4 =	sshrl.u32 s29, $0x3;
	[tilespmem:$0x430] =	vst v62  }
0x48: {  	s31 =	simm.s32 $0x3;
	s30 =	sor.u32 $0x100, s5;
	s2 =	sadd.s32 s2, s4;
	[tilespmem:$0x470] =	vst v63  }
0x49: {  	[hbm4b:s2+s1] =	stream.linear.scatter [tilespmem:s30], [sflag:$0x3], $0x320, $0x38;
	[tilespmem:$0x480] =	vst v63  }
0x4a: {  	_ =	swait.ge [sflag:s31], $0x320  }
0x4b: {  	[sflag:s31] =	ssyncset.done $0x0  }
0x4c: {  	[sflag:s31] =	ssyncadd.s32 $0xFFFFFCE0  }
0x4d: {  	_ =	sfence.sel $0x180000  }
0x4e: {  	[bflag:$0x0] =	sbarrier.arrive $0xFFFF  }
0x4f: {  	p0 =	sne.s32 s28, $0x0;
	_ =	strace $0x90000047  }
0x50: {  	s0 =	sadd.s32 @!p0 $0x100000, s0;
	[bflag:$0x2] =	sbarrier.arrive $0xFFFF  }
0x51: {  	[sflag:s0] =	ssyncadd.tile.s32 @!p0 $0x1;
	_ =	shalt  }
.Lfunc_end2:
_tile_overlayer_lowered:
.L_overlay_start_2:
0x52: {  	(tag) =	ssettag $0x2  }
0x53: {  	s0 =	rddreg [dreg:$0x0];
	s2 =	stileid.u32  }
0x54: {  	s1 =	rddreg [dreg:$0x1];
	p0 =	sne.s32 s2, $0x0  }
0x55: {  	s3 =	rddreg [dreg:$0x2];
	[bflag:$0x3] =	sbarrier.arrive $0xFFFF;
	s2 =	simm.s32 @!p0 $0x1C03  }
0x56: {  	[timem:s3], [sflag:s2] =	dma.local @!p0 [hbm:s0], s1  }
0x57: {  	s0 =	simm.s32 @!p0 $0x3  }
0x58: {  	_ =	swait.ge @!p0 [sflag:s0], s1  }
0x59: {  	s1 =	ssub.s32 @!p0 $0x0, s1;
	[sflag:s0] =	ssyncset.done @!p0 $0x0  }
0x5a: {  	[sflag:s0] =	ssyncadd.s32 @!p0 s1  }
0x5b: {  	[bflag:$0x3] =	sbarrier.arrive $0xFFFF  }
0x5c: {  	_ =	shalt  }

</sc_bundles>
